<compile_context>
chip_gen: v7x
topology: tpu7x:2x2x1
jax: 0.10.2.dev20260603
libtpu: 0.0.44.dev20260713+nightly
codegen_flags: <defaults>
</compile_context>

<pallas_src>
import functools
import math

import jax
import jax.numpy as jnp
from jax import lax
from jax.experimental import pallas as pl
from jax.experimental.pallas import tpu as pltpu
from jax.experimental.pallas import tpu_sc as plsc

VOCAB = 100000
EMB = 128
B = 4096
L = 200
SCALE = math.sqrt(EMB)

NC = 2
NS = 16
NW = NC * NS

BFLAT = B * L
BPW = BFLAT // NW
SUB = 2
CH = SUB * 128
NCHUNK = BPW // CH
IDXROWS = BPW // 128
B128 = BFLAT // 128


def _scale_table(table):
    def body(t_ref, o_ref):
        o_ref[...] = t_ref[...] * jnp.float32(SCALE)

    return pl.pallas_call(
        body,
        out_shape=jax.ShapeDtypeStruct((VOCAB, EMB), jnp.float32),
        grid=(50,),
        in_specs=[pl.BlockSpec((VOCAB // 50, EMB), lambda i: (i, 0))],
        out_specs=pl.BlockSpec((VOCAB // 50, EMB), lambda i: (i, 0)),
    )(table)


_mesh = plsc.VectorSubcoreMesh(core_axis_name="c", subcore_axis_name="s")


@functools.partial(
    pl.kernel,
    mesh=_mesh,
    out_type=jax.ShapeDtypeStruct((B128, 128, EMB), jnp.float32),
    scratch_types=[
        pltpu.VMEM((IDXROWS, 128), jnp.int32),
        pltpu.VMEM((SUB, 128, EMB), jnp.float32),
        pltpu.VMEM((SUB, 128, EMB), jnp.float32),
        pltpu.SemaphoreType.DMA,
        pltpu.SemaphoreType.DMA,
        pltpu.SemaphoreType.DMA,
        pltpu.SemaphoreType.DMA,
    ],
)
def _gather_sc(tok_hbm, tab_hbm, out_hbm, idx_all, rows0, rows1,
               sg0, sg1, so0, so1):
    wid = lax.axis_index("s") * NC + lax.axis_index("c")
    base = wid * (BPW // 128)
    rows = (rows0, rows1)
    sg = (sg0, sg1)
    so = (so0, so1)

    pltpu.sync_copy(tok_hbm.at[pl.ds(base, IDXROWS)], idx_all)

    def fire_gathers(b, c):
        return [
            pltpu.async_copy(
                tab_hbm.at[idx_all.at[c * SUB + j]], rows[b].at[j], sg[b]
            )
            for j in range(SUB)
        ]

    def fire_scatter(b, c):
        pltpu.async_copy(rows[b], out_hbm.at[pl.ds(base + c * SUB, SUB)], so[b])

    def wait_scatter(b, c):
        pltpu.make_async_copy(
            rows[b], out_hbm.at[pl.ds(base + c * SUB, SUB)], so[b]
        ).wait()

    for b in range(2):
        for d in fire_gathers(b, b):
            d.wait()
        fire_scatter(b, b)

    def body(i, carry):
        for b in range(2):
            c = 2 * i + b
            wait_scatter(b, c - 2)
            for d in fire_gathers(b, c):
                d.wait()
            fire_scatter(b, c)
        return carry

    lax.fori_loop(1, NCHUNK // 2, body, 0)

    for b in range(2):
        wait_scatter(b, NCHUNK - 2 + b)


def kernel(tokens, table):
    scaled = _scale_table(table.astype(jnp.float32))
    tok2d = tokens.reshape(B128, 128).astype(jnp.int32)
    out = _gather_sc(tok2d, scaled)
    return out.reshape(B, L, EMB)

# --- scband reference (transcript-rebuilt; emitter-appended) ---
"""Pipeline reference for scband-token-embedding-11862699672148 (READ-ONLY COPY).

The authoritative reference and input builder live on the scoring server;
editing this copy changes nothing except your own understanding.
"""

import jax, jax.numpy as jnp
import numpy as np
import math

VOCAB = 100000
EMB = 128
B = 4096
L = 200

def setup_inputs(seed: int = 0) -> dict:
    key = jax.random.key(seed)
    k_tok, k_tab = jax.random.split(key)
    tokens = jax.random.randint(k_tok, (B, L), 0, VOCAB, dtype=jnp.int64 if jax.config.jax_enable_x64 else jnp.int32)
    table = jax.random.normal(k_tab, (VOCAB, EMB), dtype=jnp.float32)
    return {"tokens": tokens, "table": table}

def reference(tokens, table):
    # TokenEmbedding.forward: embedding(tokens) * sqrt(emb_size)
    emb = jnp.take(table, tokens, axis=0)
    return emb * math.sqrt(EMB)

if __name__ == "__main__":
    import jax
    _d = setup_inputs()
    print(jax.jit(kernel)(*tuple(_d.values())))

</pallas_src>

<mosaic_0001>
#map = affine_map<(d0, d1) -> (0, 0)>
#map1 = affine_map<(d0, d1) -> (0, 0, 0)>
module attributes {stable_mosaic.version = 14 : i64} {
  func.func @_gather_sc(%arg0: i32, %arg1: i32, %arg2: memref<6400x128xi32, #tpu.memory_space<hbm>>, %arg3: memref<100000x128xf32, #tpu.memory_space<hbm>>, %arg4: memref<6400x128x128xf32, #tpu.memory_space<hbm>>, %arg5: memref<200x128xi32, #tpu.memory_space<vmem>>, %arg6: memref<2x128x128xf32, #tpu.memory_space<vmem>>, %arg7: memref<2x128x128xf32, #tpu.memory_space<vmem>>, %arg8: memref<!tpu.dma_semaphore, #tpu.memory_space<semaphore_mem>>, %arg9: memref<!tpu.dma_semaphore, #tpu.memory_space<semaphore_mem>>, %arg10: memref<!tpu.dma_semaphore, #tpu.memory_space<semaphore_mem>>, %arg11: memref<!tpu.dma_semaphore, #tpu.memory_space<semaphore_mem>>) attributes {dimension_semantics = [#tpu.dimension_semantics<core_parallel>, #tpu.dimension_semantics<subcore_parallel>], iteration_bounds = array<i64: 2, 16>, scalar_prefetch = 0 : i64, scratch_operands = 7 : i64, tpu.core_type = #tpu.core_type<sc_vector_subcore>, window_params = [{transform_indices = #map}, {transform_indices = #map}, {transform_indices = #map1}]} {
    %mul3A = arith.constant 2 : i32
    %mul3A_0 = arith.muli %arg1, %mul3A : i32
    %add3A = arith.addi %mul3A_0, %arg0 : i32
    %mul3A_1 = arith.constant 200 : i32
    %mul3A_2 = arith.muli %add3A, %mul3A_1 : i32
    "tpu.region"() ({
      %run_scoped3A = tpu.sem_alloc : memref<!tpu.dma_semaphore, #tpu.memory_space<semaphore_mem>>
      %dma_start3A_134 = arith.constant 0 : i32
      %dma_start3A_135 = tpu.memref_slice %arg2[%mul3A_2, %dma_start3A_134] : memref<6400x128xi32, #tpu.memory_space<hbm>> -> memref<200x128xi32, #tpu.memory_space<hbm>>
      %dma_start3A_136 = arith.constant 0 : i32
      %dma_start3A_137 = tpu.memref_slice %arg2[%mul3A_2, %dma_start3A_136] : memref<6400x128xi32, #tpu.memory_space<hbm>> -> memref<200x128xi32, #tpu.memory_space<hbm>>
      tpu.enqueue_dma source(%dma_start3A_137 : memref<200x128xi32, #tpu.memory_space<hbm>>) target(%arg5 : memref<200x128xi32, #tpu.memory_space<vmem>>) target_semaphore(%run_scoped3A : memref<!tpu.dma_semaphore, #tpu.memory_space<semaphore_mem>>)
      %dma_wait3A_138 = arith.constant 0 : i32
      %dma_wait3A_139 = tpu.memref_slice %arg2[%mul3A_2, %dma_wait3A_138] : memref<6400x128xi32, #tpu.memory_space<hbm>> -> memref<200x128xi32, #tpu.memory_space<hbm>>
      %dma_wait3A_140 = arith.constant 0 : i32
      %dma_wait3A_141 = tpu.memref_slice %arg2[%mul3A_2, %dma_wait3A_140] : memref<6400x128xi32, #tpu.memory_space<hbm>> -> memref<200x128xi32, #tpu.memory_space<hbm>>
      tpu.wait_dma2 semaphore(%run_scoped3A : memref<!tpu.dma_semaphore, #tpu.memory_space<semaphore_mem>>) src(%dma_wait3A_141 : memref<200x128xi32, #tpu.memory_space<hbm>>) dst(%arg5 : memref<200x128xi32, #tpu.memory_space<vmem>>)
      tpu.yield
    }) : () -> ()
    %dma_start3A = arith.constant 0 : i32
    %dma_start3A_3 = arith.constant 0 : i32
    %dma_start3A_4 = arith.constant 0 : i32
    %dma_start3A_5 = arith.constant 0 : i32
    %dma_start3A_6 = tpu.memref_slice %arg6[%dma_start3A_3, %dma_start3A_4, %dma_start3A_5] : memref<2x128x128xf32, #tpu.memory_space<vmem>> -> memref<1x128x128xf32, #tpu.memory_space<vmem>>
    %dma_start3A_7 = tpu.memref_squeeze %dma_start3A_6 : memref<1x128x128xf32, #tpu.memory_space<vmem>> -> memref<128x128xf32, #tpu.memory_space<vmem>>
    %dma_start3A_8 = arith.constant 0 : i32
    %dma_start3A_9 = tpu.memref_slice %arg5[%dma_start3A, %dma_start3A_8] : memref<200x128xi32, #tpu.memory_space<vmem>> -> memref<1x128xi32, #tpu.memory_space<vmem>>
    %dma_start3A_10 = tpu.memref_squeeze %dma_start3A_9 : memref<1x128xi32, #tpu.memory_space<vmem>> -> memref<128xi32, #tpu.memory_space<vmem>>
    %dma_start3A_11 = arith.constant 0 : i32
    %dma_start3A_12 = arith.constant 0 : i32
    %dma_start3A_13 = tpu.memref_slice %arg3[%dma_start3A_11, %dma_start3A_12] : memref<100000x128xf32, #tpu.memory_space<hbm>> -> memref<100000x128xf32, #tpu.memory_space<hbm>>
    tpu.enqueue_indirect_dma source(%dma_start3A_13 : memref<100000x128xf32, #tpu.memory_space<hbm>>) target(%dma_start3A_7 : memref<128x128xf32, #tpu.memory_space<vmem>>) offsets(%dma_start3A_10 : memref<128xi32, #tpu.memory_space<vmem>>) semaphore(%arg8 : memref<!tpu.dma_semaphore, #tpu.memory_space<semaphore_mem>>)
    %dma_start3A_14 = arith.constant 1 : i32
    %dma_start3A_15 = arith.constant 1 : i32
    %dma_start3A_16 = arith.constant 0 : i32
    %dma_start3A_17 = arith.constant 0 : i32
    %dma_start3A_18 = tpu.memref_slice %arg6[%dma_start3A_15, %dma_start3A_16, %dma_start3A_17] : memref<2x128x128xf32, #tpu.memory_space<vmem>> -> memref<1x128x128xf32, #tpu.memory_space<vmem>>
    %dma_start3A_19 = tpu.memref_squeeze %dma_start3A_18 : memref<1x128x128xf32, #tpu.memory_space<vmem>> -> memref<128x128xf32, #tpu.memory_space<vmem>>
    %dma_start3A_20 = arith.constant 0 : i32
    %dma_start3A_21 = tpu.memref_slice %arg5[%dma_start3A_14, %dma_start3A_20] : memref<200x128xi32, #tpu.memory_space<vmem>> -> memref<1x128xi32, #tpu.memory_space<vmem>>
    %dma_start3A_22 = tpu.memref_squeeze %dma_start3A_21 : memref<1x128xi32, #tpu.memory_space<vmem>> -> memref<128xi32, #tpu.memory_space<vmem>>
    %dma_start3A_23 = arith.constant 0 : i32
    %dma_start3A_24 = arith.constant 0 : i32
    %dma_start3A_25 = tpu.memref_slice %arg3[%dma_start3A_23, %dma_start3A_24] : memref<100000x128xf32, #tpu.memory_space<hbm>> -> memref<100000x128xf32, #tpu.memory_space<hbm>>
    tpu.enqueue_indirect_dma source(%dma_start3A_25 : memref<100000x128xf32, #tpu.memory_space<hbm>>) target(%dma_start3A_19 : memref<128x128xf32, #tpu.memory_space<vmem>>) offsets(%dma_start3A_22 : memref<128xi32, #tpu.memory_space<vmem>>) semaphore(%arg8 : memref<!tpu.dma_semaphore, #tpu.memory_space<semaphore_mem>>)
    %dma_wait3A = arith.constant 0 : i32
    %dma_wait3A_26 = arith.constant 0 : i32
    %dma_wait3A_27 = arith.constant 0 : i32
    %dma_wait3A_28 = arith.constant 0 : i32
    %dma_wait3A_29 = tpu.memref_slice %arg6[%dma_wait3A_26, %dma_wait3A_27, %dma_wait3A_28] : memref<2x128x128xf32, #tpu.memory_space<vmem>> -> memref<1x128x128xf32, #tpu.memory_space<vmem>>
    %dma_wait3A_30 = tpu.memref_squeeze %dma_wait3A_29 : memref<1x128x128xf32, #tpu.memory_space<vmem>> -> memref<128x128xf32, #tpu.memory_space<vmem>>
    %dma_wait3A_31 = arith.constant 0 : i32
    %dma_wait3A_32 = tpu.memref_slice %arg5[%dma_wait3A, %dma_wait3A_31] : memref<200x128xi32, #tpu.memory_space<vmem>> -> memref<1x128xi32, #tpu.memory_space<vmem>>
    %dma_wait3A_33 = tpu.memref_squeeze %dma_wait3A_32 : memref<1x128xi32, #tpu.memory_space<vmem>> -> memref<128xi32, #tpu.memory_space<vmem>>
    %dma_wait3A_34 = arith.constant 0 : i32
    %dma_wait3A_35 = arith.constant 0 : i32
    %dma_wait3A_36 = tpu.memref_slice %arg3[%dma_wait3A_34, %dma_wait3A_35] : memref<100000x128xf32, #tpu.memory_space<hbm>> -> memref<100000x128xf32, #tpu.memory_space<hbm>>
    tpu.wait_indirect_dma semaphore(%arg8 : memref<!tpu.dma_semaphore, #tpu.memory_space<semaphore_mem>>) src(%dma_wait3A_36 : memref<100000x128xf32, #tpu.memory_space<hbm>>) dst(%dma_wait3A_30 : memref<128x128xf32, #tpu.memory_space<vmem>>)
    %dma_wait3A_37 = arith.constant 1 : i32
    %dma_wait3A_38 = arith.constant 1 : i32
    %dma_wait3A_39 = arith.constant 0 : i32
    %dma_wait3A_40 = arith.constant 0 : i32
    %dma_wait3A_41 = tpu.memref_slice %arg6[%dma_wait3A_38, %dma_wait3A_39, %dma_wait3A_40] : memref<2x128x128xf32, #tpu.memory_space<vmem>> -> memref<1x128x128xf32, #tpu.memory_space<vmem>>
    %dma_wait3A_42 = tpu.memref_squeeze %dma_wait3A_41 : memref<1x128x128xf32, #tpu.memory_space<vmem>> -> memref<128x128xf32, #tpu.memory_space<vmem>>
    %dma_wait3A_43 = arith.constant 0 : i32
    %dma_wait3A_44 = tpu.memref_slice %arg5[%dma_wait3A_37, %dma_wait3A_43] : memref<200x128xi32, #tpu.memory_space<vmem>> -> memref<1x128xi32, #tpu.memory_space<vmem>>
    %dma_wait3A_45 = tpu.memref_squeeze %dma_wait3A_44 : memref<1x128xi32, #tpu.memory_space<vmem>> -> memref<128xi32, #tpu.memory_space<vmem>>
    %dma_wait3A_46 = arith.constant 0 : i32
    %dma_wait3A_47 = arith.constant 0 : i32
    %dma_wait3A_48 = tpu.memref_slice %arg3[%dma_wait3A_46, %dma_wait3A_47] : memref<100000x128xf32, #tpu.memory_space<hbm>> -> memref<100000x128xf32, #tpu.memory_space<hbm>>
    tpu.wait_indirect_dma semaphore(%arg8 : memref<!tpu.dma_semaphore, #tpu.memory_space<semaphore_mem>>) src(%dma_wait3A_48 : memref<100000x128xf32, #tpu.memory_space<hbm>>) dst(%dma_wait3A_42 : memref<128x128xf32, #tpu.memory_space<vmem>>)
    %add3A_49 = arith.constant 0 : i32
    %add3A_50 = arith.addi %mul3A_2, %add3A_49 : i32
    %dma_start3A_51 = arith.constant 0 : i32
    %dma_start3A_52 = arith.constant 0 : i32
    %dma_start3A_53 = tpu.memref_slice %arg4[%add3A_50, %dma_start3A_51, %dma_start3A_52] : memref<6400x128x128xf32, #tpu.memory_space<hbm>> -> memref<2x128x128xf32, #tpu.memory_space<hbm>>
    %dma_start3A_54 = arith.constant 0 : i32
    %dma_start3A_55 = arith.constant 0 : i32
    %dma_start3A_56 = tpu.memref_slice %arg4[%add3A_50, %dma_start3A_54, %dma_start3A_55] : memref<6400x128x128xf32, #tpu.memory_space<hbm>> -> memref<2x128x128xf32, #tpu.memory_space<hbm>>
    tpu.enqueue_dma source(%arg6 : memref<2x128x128xf32, #tpu.memory_space<vmem>>) target(%dma_start3A_56 : memref<2x128x128xf32, #tpu.memory_space<hbm>>) target_semaphore(%arg10 : memref<!tpu.dma_semaphore, #tpu.memory_space<semaphore_mem>>)
    %dma_start3A_57 = arith.constant 2 : i32
    %dma_start3A_58 = arith.constant 0 : i32
    %dma_start3A_59 = arith.constant 0 : i32
    %dma_start3A_60 = arith.constant 0 : i32
    %dma_start3A_61 = tpu.memref_slice %arg7[%dma_start3A_58, %dma_start3A_59, %dma_start3A_60] : memref<2x128x128xf32, #tpu.memory_space<vmem>> -> memref<1x128x128xf32, #tpu.memory_space<vmem>>
    %dma_start3A_62 = tpu.memref_squeeze %dma_start3A_61 : memref<1x128x128xf32, #tpu.memory_space<vmem>> -> memref<128x128xf32, #tpu.memory_space<vmem>>
    %dma_start3A_63 = arith.constant 0 : i32
    %dma_start3A_64 = tpu.memref_slice %arg5[%dma_start3A_57, %dma_start3A_63] : memref<200x128xi32, #tpu.memory_space<vmem>> -> memref<1x128xi32, #tpu.memory_space<vmem>>
    %dma_start3A_65 = tpu.memref_squeeze %dma_start3A_64 : memref<1x128xi32, #tpu.memory_space<vmem>> -> memref<128xi32, #tpu.memory_space<vmem>>
    %dma_start3A_66 = arith.constant 0 : i32
    %dma_start3A_67 = arith.constant 0 : i32
    %dma_start3A_68 = tpu.memref_slice %arg3[%dma_start3A_66, %dma_start3A_67] : memref<100000x128xf32, #tpu.memory_space<hbm>> -> memref<100000x128xf32, #tpu.memory_space<hbm>>
    tpu.enqueue_indirect_dma source(%dma_start3A_68 : memref<100000x128xf32, #tpu.memory_space<hbm>>) target(%dma_start3A_62 : memref<128x128xf32, #tpu.memory_space<vmem>>) offsets(%dma_start3A_65 : memref<128xi32, #tpu.memory_space<vmem>>) semaphore(%arg9 : memref<!tpu.dma_semaphore, #tpu.memory_space<semaphore_mem>>)
    %dma_start3A_69 = arith.constant 3 : i32
    %dma_start3A_70 = arith.constant 1 : i32
    %dma_start3A_71 = arith.constant 0 : i32
    %dma_start3A_72 = arith.constant 0 : i32
    %dma_start3A_73 = tpu.memref_slice %arg7[%dma_start3A_70, %dma_start3A_71, %dma_start3A_72] : memref<2x128x128xf32, #tpu.memory_space<vmem>> -> memref<1x128x128xf32, #tpu.memory_space<vmem>>
    %dma_start3A_74 = tpu.memref_squeeze %dma_start3A_73 : memref<1x128x128xf32, #tpu.memory_space<vmem>> -> memref<128x128xf32, #tpu.memory_space<vmem>>
    %dma_start3A_75 = arith.constant 0 : i32
    %dma_start3A_76 = tpu.memref_slice %arg5[%dma_start3A_69, %dma_start3A_75] : memref<200x128xi32, #tpu.memory_space<vmem>> -> memref<1x128xi32, #tpu.memory_space<vmem>>
    %dma_start3A_77 = tpu.memref_squeeze %dma_start3A_76 : memref<1x128xi32, #tpu.memory_space<vmem>> -> memref<128xi32, #tpu.memory_space<vmem>>
    %dma_start3A_78 = arith.constant 0 : i32
    %dma_start3A_79 = arith.constant 0 : i32
    %dma_start3A_80 = tpu.memref_slice %arg3[%dma_start3A_78, %dma_start3A_79] : memref<100000x128xf32, #tpu.memory_space<hbm>> -> memref<100000x128xf32, #tpu.memory_space<hbm>>
    tpu.enqueue_indirect_dma source(%dma_start3A_80 : memref<100000x128xf32, #tpu.memory_space<hbm>>) target(%dma_start3A_74 : memref<128x128xf32, #tpu.memory_space<vmem>>) offsets(%dma_start3A_77 : memref<128xi32, #tpu.memory_space<vmem>>) semaphore(%arg9 : memref<!tpu.dma_semaphore, #tpu.memory_space<semaphore_mem>>)
    %dma_wait3A_81 = arith.constant 2 : i32
    %dma_wait3A_82 = arith.constant 0 : i32
    %dma_wait3A_83 = arith.constant 0 : i32
    %dma_wait3A_84 = arith.constant 0 : i32
    %dma_wait3A_85 = tpu.memref_slice %arg7[%dma_wait3A_82, %dma_wait3A_83, %dma_wait3A_84] : memref<2x128x128xf32, #tpu.memory_space<vmem>> -> memref<1x128x128xf32, #tpu.memory_space<vmem>>
    %dma_wait3A_86 = tpu.memref_squeeze %dma_wait3A_85 : memref<1x128x128xf32, #tpu.memory_space<vmem>> -> memref<128x128xf32, #tpu.memory_space<vmem>>
    %dma_wait3A_87 = arith.constant 0 : i32
    %dma_wait3A_88 = tpu.memref_slice %arg5[%dma_wait3A_81, %dma_wait3A_87] : memref<200x128xi32, #tpu.memory_space<vmem>> -> memref<1x128xi32, #tpu.memory_space<vmem>>
    %dma_wait3A_89 = tpu.memref_squeeze %dma_wait3A_88 : memref<1x128xi32, #tpu.memory_space<vmem>> -> memref<128xi32, #tpu.memory_space<vmem>>
    %dma_wait3A_90 = arith.constant 0 : i32
    %dma_wait3A_91 = arith.constant 0 : i32
    %dma_wait3A_92 = tpu.memref_slice %arg3[%dma_wait3A_90, %dma_wait3A_91] : memref<100000x128xf32, #tpu.memory_space<hbm>> -> memref<100000x128xf32, #tpu.memory_space<hbm>>
    tpu.wait_indirect_dma semaphore(%arg9 : memref<!tpu.dma_semaphore, #tpu.memory_space<semaphore_mem>>) src(%dma_wait3A_92 : memref<100000x128xf32, #tpu.memory_space<hbm>>) dst(%dma_wait3A_86 : memref<128x128xf32, #tpu.memory_space<vmem>>)
    %dma_wait3A_93 = arith.constant 3 : i32
    %dma_wait3A_94 = arith.constant 1 : i32
    %dma_wait3A_95 = arith.constant 0 : i32
    %dma_wait3A_96 = arith.constant 0 : i32
    %dma_wait3A_97 = tpu.memref_slice %arg7[%dma_wait3A_94, %dma_wait3A_95, %dma_wait3A_96] : memref<2x128x128xf32, #tpu.memory_space<vmem>> -> memref<1x128x128xf32, #tpu.memory_space<vmem>>
    %dma_wait3A_98 = tpu.memref_squeeze %dma_wait3A_97 : memref<1x128x128xf32, #tpu.memory_space<vmem>> -> memref<128x128xf32, #tpu.memory_space<vmem>>
    %dma_wait3A_99 = arith.constant 0 : i32
    %dma_wait3A_100 = tpu.memref_slice %arg5[%dma_wait3A_93, %dma_wait3A_99] : memref<200x128xi32, #tpu.memory_space<vmem>> -> memref<1x128xi32, #tpu.memory_space<vmem>>
    %dma_wait3A_101 = tpu.memref_squeeze %dma_wait3A_100 : memref<1x128xi32, #tpu.memory_space<vmem>> -> memref<128xi32, #tpu.memory_space<vmem>>
    %dma_wait3A_102 = arith.constant 0 : i32
    %dma_wait3A_103 = arith.constant 0 : i32
    %dma_wait3A_104 = tpu.memref_slice %arg3[%dma_wait3A_102, %dma_wait3A_103] : memref<100000x128xf32, #tpu.memory_space<hbm>> -> memref<100000x128xf32, #tpu.memory_space<hbm>>
    tpu.wait_indirect_dma semaphore(%arg9 : memref<!tpu.dma_semaphore, #tpu.memory_space<semaphore_mem>>) src(%dma_wait3A_104 : memref<100000x128xf32, #tpu.memory_space<hbm>>) dst(%dma_wait3A_98 : memref<128x128xf32, #tpu.memory_space<vmem>>)
    %add3A_105 = arith.constant 2 : i32
    %add3A_106 = arith.addi %mul3A_2, %add3A_105 : i32
    %dma_start3A_107 = arith.constant 0 : i32
    %dma_start3A_108 = arith.constant 0 : i32
    %dma_start3A_109 = tpu.memref_slice %arg4[%add3A_106, %dma_start3A_107, %dma_start3A_108] : memref<6400x128x128xf32, #tpu.memory_space<hbm>> -> memref<2x128x128xf32, #tpu.memory_space<hbm>>
    %dma_start3A_110 = arith.constant 0 : i32
    %dma_start3A_111 = arith.constant 0 : i32
    %dma_start3A_112 = tpu.memref_slice %arg4[%add3A_106, %dma_start3A_110, %dma_start3A_111] : memref<6400x128x128xf32, #tpu.memory_space<hbm>> -> memref<2x128x128xf32, #tpu.memory_space<hbm>>
    tpu.enqueue_dma source(%arg7 : memref<2x128x128xf32, #tpu.memory_space<vmem>>) target(%dma_start3A_112 : memref<2x128x128xf32, #tpu.memory_space<hbm>>) target_semaphore(%arg11 : memref<!tpu.dma_semaphore, #tpu.memory_space<semaphore_mem>>)
    %scan3A = arith.constant 0 : i32
    %scan3A_113 = arith.constant 1 : i32
    %scan3A_114 = arith.constant 49 : i32
    %scan3A_115 = arith.addi %scan3A_113, %scan3A_114 : i32
    %scan3A_116 = arith.constant 1 : i32
    scf.for %scan3A_134 = %scan3A_113 to %scan3A_115 step %scan3A_116  : i32 {
      %mul3A_135 = arith.constant 2 : i32
      %mul3A_136 = arith.muli %mul3A_135, %scan3A_134 : i32
      %add3A_137 = arith.constant 0 : i32
      %add3A_138 = arith.addi %mul3A_136, %add3A_137 : i32
      %sub3A = arith.constant 2 : i32
      %sub3A_139 = arith.subi %add3A_138, %sub3A : i32
      %mul3A_140 = arith.constant 2 : i32
      %mul3A_141 = arith.muli %sub3A_139, %mul3A_140 : i32
      %add3A_142 = arith.addi %mul3A_2, %mul3A_141 : i32
      %dma_wait3A_143 = arith.constant 0 : i32
      %dma_wait3A_144 = arith.constant 0 : i32
      %dma_wait3A_145 = tpu.memref_slice %arg4[%add3A_142, %dma_wait3A_143, %dma_wait3A_144] : memref<6400x128x128xf32, #tpu.memory_space<hbm>> -> memref<2x128x128xf32, #tpu.memory_space<hbm>>
      %dma_wait3A_146 = arith.constant 0 : i32
      %dma_wait3A_147 = arith.constant 0 : i32
      %dma_wait3A_148 = tpu.memref_slice %arg4[%add3A_142, %dma_wait3A_146, %dma_wait3A_147] : memref<6400x128x128xf32, #tpu.memory_space<hbm>> -> memref<2x128x128xf32, #tpu.memory_space<hbm>>
      tpu.wait_dma2 semaphore(%arg10 : memref<!tpu.dma_semaphore, #tpu.memory_space<semaphore_mem>>) src(%arg6 : memref<2x128x128xf32, #tpu.memory_space<vmem>>) dst(%dma_wait3A_148 : memref<2x128x128xf32, #tpu.memory_space<hbm>>)
      %mul3A_149 = arith.constant 2 : i32
      %mul3A_150 = arith.muli %add3A_138, %mul3A_149 : i32
      %add3A_151 = arith.constant 0 : i32
      %add3A_152 = arith.addi %mul3A_150, %add3A_151 : i32
      %dma_start3A_153 = arith.constant 0 : i32
      %dma_start3A_154 = arith.constant 0 : i32
      %dma_start3A_155 = arith.constant 0 : i32
      %dma_start3A_156 = tpu.memref_slice %arg6[%dma_start3A_153, %dma_start3A_154, %dma_start3A_155] : memref<2x128x128xf32, #tpu.memory_space<vmem>> -> memref<1x128x128xf32, #tpu.memory_space<vmem>>
      %dma_start3A_157 = tpu.memref_squeeze %dma_start3A_156 : memref<1x128x128xf32, #tpu.memory_space<vmem>> -> memref<128x128xf32, #tpu.memory_space<vmem>>
      %dma_start3A_158 = arith.constant 0 : i32
      %dma_start3A_159 = tpu.memref_slice %arg5[%add3A_152, %dma_start3A_158] : memref<200x128xi32, #tpu.memory_space<vmem>> -> memref<1x128xi32, #tpu.memory_space<vmem>>
      %dma_start3A_160 = tpu.memref_squeeze %dma_start3A_159 : memref<1x128xi32, #tpu.memory_space<vmem>> -> memref<128xi32, #tpu.memory_space<vmem>>
      %dma_start3A_161 = arith.constant 0 : i32
      %dma_start3A_162 = arith.constant 0 : i32
      %dma_start3A_163 = tpu.memref_slice %arg3[%dma_start3A_161, %dma_start3A_162] : memref<100000x128xf32, #tpu.memory_space<hbm>> -> memref<100000x128xf32, #tpu.memory_space<hbm>>
      tpu.enqueue_indirect_dma source(%dma_start3A_163 : memref<100000x128xf32, #tpu.memory_space<hbm>>) target(%dma_start3A_157 : memref<128x128xf32, #tpu.memory_space<vmem>>) offsets(%dma_start3A_160 : memref<128xi32, #tpu.memory_space<vmem>>) semaphore(%arg8 : memref<!tpu.dma_semaphore, #tpu.memory_space<semaphore_mem>>)
      %mul3A_164 = arith.constant 2 : i32
      %mul3A_165 = arith.muli %add3A_138, %mul3A_164 : i32
      %add3A_166 = arith.constant 1 : i32
      %add3A_167 = arith.addi %mul3A_165, %add3A_166 : i32
      %dma_start3A_168 = arith.constant 1 : i32
      %dma_start3A_169 = arith.constant 0 : i32
      %dma_start3A_170 = arith.constant 0 : i32
      %dma_start3A_171 = tpu.memref_slice %arg6[%dma_start3A_168, %dma_start3A_169, %dma_start3A_170] : memref<2x128x128xf32, #tpu.memory_space<vmem>> -> memref<1x128x128xf32, #tpu.memory_space<vmem>>
      %dma_start3A_172 = tpu.memref_squeeze %dma_start3A_171 : memref<1x128x128xf32, #tpu.memory_space<vmem>> -> memref<128x128xf32, #tpu.memory_space<vmem>>
      %dma_start3A_173 = arith.constant 0 : i32
      %dma_start3A_174 = tpu.memref_slice %arg5[%add3A_167, %dma_start3A_173] : memref<200x128xi32, #tpu.memory_space<vmem>> -> memref<1x128xi32, #tpu.memory_space<vmem>>
      %dma_start3A_175 = tpu.memref_squeeze %dma_start3A_174 : memref<1x128xi32, #tpu.memory_space<vmem>> -> memref<128xi32, #tpu.memory_space<vmem>>
      %dma_start3A_176 = arith.constant 0 : i32
      %dma_start3A_177 = arith.constant 0 : i32
      %dma_start3A_178 = tpu.memref_slice %arg3[%dma_start3A_176, %dma_start3A_177] : memref<100000x128xf32, #tpu.memory_space<hbm>> -> memref<100000x128xf32, #tpu.memory_space<hbm>>
      tpu.enqueue_indirect_dma source(%dma_start3A_178 : memref<100000x128xf32, #tpu.memory_space<hbm>>) target(%dma_start3A_172 : memref<128x128xf32, #tpu.memory_space<vmem>>) offsets(%dma_start3A_175 : memref<128xi32, #tpu.memory_space<vmem>>) semaphore(%arg8 : memref<!tpu.dma_semaphore, #tpu.memory_space<semaphore_mem>>)
      %dma_wait3A_179 = arith.constant 0 : i32
      %dma_wait3A_180 = arith.constant 0 : i32
      %dma_wait3A_181 = arith.constant 0 : i32
      %dma_wait3A_182 = tpu.memref_slice %arg6[%dma_wait3A_179, %dma_wait3A_180, %dma_wait3A_181] : memref<2x128x128xf32, #tpu.memory_space<vmem>> -> memref<1x128x128xf32, #tpu.memory_space<vmem>>
      %dma_wait3A_183 = tpu.memref_squeeze %dma_wait3A_182 : memref<1x128x128xf32, #tpu.memory_space<vmem>> -> memref<128x128xf32, #tpu.memory_space<vmem>>
      %dma_wait3A_184 = arith.constant 0 : i32
      %dma_wait3A_185 = tpu.memref_slice %arg5[%add3A_152, %dma_wait3A_184] : memref<200x128xi32, #tpu.memory_space<vmem>> -> memref<1x128xi32, #tpu.memory_space<vmem>>
      %dma_wait3A_186 = tpu.memref_squeeze %dma_wait3A_185 : memref<1x128xi32, #tpu.memory_space<vmem>> -> memref<128xi32, #tpu.memory_space<vmem>>
      %dma_wait3A_187 = arith.constant 0 : i32
      %dma_wait3A_188 = arith.constant 0 : i32
      %dma_wait3A_189 = tpu.memref_slice %arg3[%dma_wait3A_187, %dma_wait3A_188] : memref<100000x128xf32, #tpu.memory_space<hbm>> -> memref<100000x128xf32, #tpu.memory_space<hbm>>
      tpu.wait_indirect_dma semaphore(%arg8 : memref<!tpu.dma_semaphore, #tpu.memory_space<semaphore_mem>>) src(%dma_wait3A_189 : memref<100000x128xf32, #tpu.memory_space<hbm>>) dst(%dma_wait3A_183 : memref<128x128xf32, #tpu.memory_space<vmem>>)
      %dma_wait3A_190 = arith.constant 1 : i32
      %dma_wait3A_191 = arith.constant 0 : i32
      %dma_wait3A_192 = arith.constant 0 : i32
      %dma_wait3A_193 = tpu.memref_slice %arg6[%dma_wait3A_190, %dma_wait3A_191, %dma_wait3A_192] : memref<2x128x128xf32, #tpu.memory_space<vmem>> -> memref<1x128x128xf32, #tpu.memory_space<vmem>>
      %dma_wait3A_194 = tpu.memref_squeeze %dma_wait3A_193 : memref<1x128x128xf32, #tpu.memory_space<vmem>> -> memref<128x128xf32, #tpu.memory_space<vmem>>
      %dma_wait3A_195 = arith.constant 0 : i32
      %dma_wait3A_196 = tpu.memref_slice %arg5[%add3A_167, %dma_wait3A_195] : memref<200x128xi32, #tpu.memory_space<vmem>> -> memref<1x128xi32, #tpu.memory_space<vmem>>
      %dma_wait3A_197 = tpu.memref_squeeze %dma_wait3A_196 : memref<1x128xi32, #tpu.memory_space<vmem>> -> memref<128xi32, #tpu.memory_space<vmem>>
      %dma_wait3A_198 = arith.constant 0 : i32
      %dma_wait3A_199 = arith.constant 0 : i32
      %dma_wait3A_200 = tpu.memref_slice %arg3[%dma_wait3A_198, %dma_wait3A_199] : memref<100000x128xf32, #tpu.memory_space<hbm>> -> memref<100000x128xf32, #tpu.memory_space<hbm>>
      tpu.wait_indirect_dma semaphore(%arg8 : memref<!tpu.dma_semaphore, #tpu.memory_space<semaphore_mem>>) src(%dma_wait3A_200 : memref<100000x128xf32, #tpu.memory_space<hbm>>) dst(%dma_wait3A_194 : memref<128x128xf32, #tpu.memory_space<vmem>>)
      %mul3A_201 = arith.constant 2 : i32
      %mul3A_202 = arith.muli %add3A_138, %mul3A_201 : i32
      %add3A_203 = arith.addi %mul3A_2, %mul3A_202 : i32
      %dma_start3A_204 = arith.constant 0 : i32
      %dma_start3A_205 = arith.constant 0 : i32
      %dma_start3A_206 = tpu.memref_slice %arg4[%add3A_203, %dma_start3A_204, %dma_start3A_205] : memref<6400x128x128xf32, #tpu.memory_space<hbm>> -> memref<2x128x128xf32, #tpu.memory_space<hbm>>
      %dma_start3A_207 = arith.constant 0 : i32
      %dma_start3A_208 = arith.constant 0 : i32
      %dma_start3A_209 = tpu.memref_slice %arg4[%add3A_203, %dma_start3A_207, %dma_start3A_208] : memref<6400x128x128xf32, #tpu.memory_space<hbm>> -> memref<2x128x128xf32, #tpu.memory_space<hbm>>
      tpu.enqueue_dma source(%arg6 : memref<2x128x128xf32, #tpu.memory_space<vmem>>) target(%dma_start3A_209 : memref<2x128x128xf32, #tpu.memory_space<hbm>>) target_semaphore(%arg10 : memref<!tpu.dma_semaphore, #tpu.memory_space<semaphore_mem>>)
      %mul3A_210 = arith.constant 2 : i32
      %mul3A_211 = arith.muli %mul3A_210, %scan3A_134 : i32
      %add3A_212 = arith.constant 1 : i32
      %add3A_213 = arith.addi %mul3A_211, %add3A_212 : i32
      %sub3A_214 = arith.constant 2 : i32
      %sub3A_215 = arith.subi %add3A_213, %sub3A_214 : i32
      %mul3A_216 = arith.constant 2 : i32
      %mul3A_217 = arith.muli %sub3A_215, %mul3A_216 : i32
      %add3A_218 = arith.addi %mul3A_2, %mul3A_217 : i32
      %dma_wait3A_219 = arith.constant 0 : i32
      %dma_wait3A_220 = arith.constant 0 : i32
      %dma_wait3A_221 = tpu.memref_slice %arg4[%add3A_218, %dma_wait3A_219, %dma_wait3A_220] : memref<6400x128x128xf32, #tpu.memory_space<hbm>> -> memref<2x128x128xf32, #tpu.memory_space<hbm>>
      %dma_wait3A_222 = arith.constant 0 : i32
      %dma_wait3A_223 = arith.constant 0 : i32
      %dma_wait3A_224 = tpu.memref_slice %arg4[%add3A_218, %dma_wait3A_222, %dma_wait3A_223] : memref<6400x128x128xf32, #tpu.memory_space<hbm>> -> memref<2x128x128xf32, #tpu.memory_space<hbm>>
      tpu.wait_dma2 semaphore(%arg11 : memref<!tpu.dma_semaphore, #tpu.memory_space<semaphore_mem>>) src(%arg7 : memref<2x128x128xf32, #tpu.memory_space<vmem>>) dst(%dma_wait3A_224 : memref<2x128x128xf32, #tpu.memory_space<hbm>>)
      %mul3A_225 = arith.constant 2 : i32
      %mul3A_226 = arith.muli %add3A_213, %mul3A_225 : i32
      %add3A_227 = arith.constant 0 : i32
      %add3A_228 = arith.addi %mul3A_226, %add3A_227 : i32
      %dma_start3A_229 = arith.constant 0 : i32
      %dma_start3A_230 = arith.constant 0 : i32
      %dma_start3A_231 = arith.constant 0 : i32
      %dma_start3A_232 = tpu.memref_slice %arg7[%dma_start3A_229, %dma_start3A_230, %dma_start3A_231] : memref<2x128x128xf32, #tpu.memory_space<vmem>> -> memref<1x128x128xf32, #tpu.memory_space<vmem>>
      %dma_start3A_233 = tpu.memref_squeeze %dma_start3A_232 : memref<1x128x128xf32, #tpu.memory_space<vmem>> -> memref<128x128xf32, #tpu.memory_space<vmem>>
      %dma_start3A_234 = arith.constant 0 : i32
      %dma_start3A_235 = tpu.memref_slice %arg5[%add3A_228, %dma_start3A_234] : memref<200x128xi32, #tpu.memory_space<vmem>> -> memref<1x128xi32, #tpu.memory_space<vmem>>
      %dma_start3A_236 = tpu.memref_squeeze %dma_start3A_235 : memref<1x128xi32, #tpu.memory_space<vmem>> -> memref<128xi32, #tpu.memory_space<vmem>>
      %dma_start3A_237 = arith.constant 0 : i32
      %dma_start3A_238 = arith.constant 0 : i32
      %dma_start3A_239 = tpu.memref_slice %arg3[%dma_start3A_237, %dma_start3A_238] : memref<100000x128xf32, #tpu.memory_space<hbm>> -> memref<100000x128xf32, #tpu.memory_space<hbm>>
      tpu.enqueue_indirect_dma source(%dma_start3A_239 : memref<100000x128xf32, #tpu.memory_space<hbm>>) target(%dma_start3A_233 : memref<128x128xf32, #tpu.memory_space<vmem>>) offsets(%dma_start3A_236 : memref<128xi32, #tpu.memory_space<vmem>>) semaphore(%arg9 : memref<!tpu.dma_semaphore, #tpu.memory_space<semaphore_mem>>)
      %mul3A_240 = arith.constant 2 : i32
      %mul3A_241 = arith.muli %add3A_213, %mul3A_240 : i32
      %add3A_242 = arith.constant 1 : i32
      %add3A_243 = arith.addi %mul3A_241, %add3A_242 : i32
      %dma_start3A_244 = arith.constant 1 : i32
      %dma_start3A_245 = arith.constant 0 : i32
      %dma_start3A_246 = arith.constant 0 : i32
      %dma_start3A_247 = tpu.memref_slice %arg7[%dma_start3A_244, %dma_start3A_245, %dma_start3A_246] : memref<2x128x128xf32, #tpu.memory_space<vmem>> -> memref<1x128x128xf32, #tpu.memory_space<vmem>>
      %dma_start3A_248 = tpu.memref_squeeze %dma_start3A_247 : memref<1x128x128xf32, #tpu.memory_space<vmem>> -> memref<128x128xf32, #tpu.memory_space<vmem>>
      %dma_start3A_249 = arith.constant 0 : i32
      %dma_start3A_250 = tpu.memref_slice %arg5[%add3A_243, %dma_start3A_249] : memref<200x128xi32, #tpu.memory_space<vmem>> -> memref<1x128xi32, #tpu.memory_space<vmem>>
      %dma_start3A_251 = tpu.memref_squeeze %dma_start3A_250 : memref<1x128xi32, #tpu.memory_space<vmem>> -> memref<128xi32, #tpu.memory_space<vmem>>
      %dma_start3A_252 = arith.constant 0 : i32
      %dma_start3A_253 = arith.constant 0 : i32
      %dma_start3A_254 = tpu.memref_slice %arg3[%dma_start3A_252, %dma_start3A_253] : memref<100000x128xf32, #tpu.memory_space<hbm>> -> memref<100000x128xf32, #tpu.memory_space<hbm>>
      tpu.enqueue_indirect_dma source(%dma_start3A_254 : memref<100000x128xf32, #tpu.memory_space<hbm>>) target(%dma_start3A_248 : memref<128x128xf32, #tpu.memory_space<vmem>>) offsets(%dma_start3A_251 : memref<128xi32, #tpu.memory_space<vmem>>) semaphore(%arg9 : memref<!tpu.dma_semaphore, #tpu.memory_space<semaphore_mem>>)
      %dma_wait3A_255 = arith.constant 0 : i32
      %dma_wait3A_256 = arith.constant 0 : i32
      %dma_wait3A_257 = arith.constant 0 : i32
      %dma_wait3A_258 = tpu.memref_slice %arg7[%dma_wait3A_255, %dma_wait3A_256, %dma_wait3A_257] : memref<2x128x128xf32, #tpu.memory_space<vmem>> -> memref<1x128x128xf32, #tpu.memory_space<vmem>>
      %dma_wait3A_259 = tpu.memref_squeeze %dma_wait3A_258 : memref<1x128x128xf32, #tpu.memory_space<vmem>> -> memref<128x128xf32, #tpu.memory_space<vmem>>
      %dma_wait3A_260 = arith.constant 0 : i32
      %dma_wait3A_261 = tpu.memref_slice %arg5[%add3A_228, %dma_wait3A_260] : memref<200x128xi32, #tpu.memory_space<vmem>> -> memref<1x128xi32, #tpu.memory_space<vmem>>
      %dma_wait3A_262 = tpu.memref_squeeze %dma_wait3A_261 : memref<1x128xi32, #tpu.memory_space<vmem>> -> memref<128xi32, #tpu.memory_space<vmem>>
      %dma_wait3A_263 = arith.constant 0 : i32
      %dma_wait3A_264 = arith.constant 0 : i32
      %dma_wait3A_265 = tpu.memref_slice %arg3[%dma_wait3A_263, %dma_wait3A_264] : memref<100000x128xf32, #tpu.memory_space<hbm>> -> memref<100000x128xf32, #tpu.memory_space<hbm>>
      tpu.wait_indirect_dma semaphore(%arg9 : memref<!tpu.dma_semaphore, #tpu.memory_space<semaphore_mem>>) src(%dma_wait3A_265 : memref<100000x128xf32, #tpu.memory_space<hbm>>) dst(%dma_wait3A_259 : memref<128x128xf32, #tpu.memory_space<vmem>>)
      %dma_wait3A_266 = arith.constant 1 : i32
      %dma_wait3A_267 = arith.constant 0 : i32
      %dma_wait3A_268 = arith.constant 0 : i32
      %dma_wait3A_269 = tpu.memref_slice %arg7[%dma_wait3A_266, %dma_wait3A_267, %dma_wait3A_268] : memref<2x128x128xf32, #tpu.memory_space<vmem>> -> memref<1x128x128xf32, #tpu.memory_space<vmem>>
      %dma_wait3A_270 = tpu.memref_squeeze %dma_wait3A_269 : memref<1x128x128xf32, #tpu.memory_space<vmem>> -> memref<128x128xf32, #tpu.memory_space<vmem>>
      %dma_wait3A_271 = arith.constant 0 : i32
      %dma_wait3A_272 = tpu.memref_slice %arg5[%add3A_243, %dma_wait3A_271] : memref<200x128xi32, #tpu.memory_space<vmem>> -> memref<1x128xi32, #tpu.memory_space<vmem>>
      %dma_wait3A_273 = tpu.memref_squeeze %dma_wait3A_272 : memref<1x128xi32, #tpu.memory_space<vmem>> -> memref<128xi32, #tpu.memory_space<vmem>>
      %dma_wait3A_274 = arith.constant 0 : i32
      %dma_wait3A_275 = arith.constant 0 : i32
      %dma_wait3A_276 = tpu.memref_slice %arg3[%dma_wait3A_274, %dma_wait3A_275] : memref<100000x128xf32, #tpu.memory_space<hbm>> -> memref<100000x128xf32, #tpu.memory_space<hbm>>
      tpu.wait_indirect_dma semaphore(%arg9 : memref<!tpu.dma_semaphore, #tpu.memory_space<semaphore_mem>>) src(%dma_wait3A_276 : memref<100000x128xf32, #tpu.memory_space<hbm>>) dst(%dma_wait3A_270 : memref<128x128xf32, #tpu.memory_space<vmem>>)
      %mul3A_277 = arith.constant 2 : i32
      %mul3A_278 = arith.muli %add3A_213, %mul3A_277 : i32
      %add3A_279 = arith.addi %mul3A_2, %mul3A_278 : i32
      %dma_start3A_280 = arith.constant 0 : i32
      %dma_start3A_281 = arith.constant 0 : i32
      %dma_start3A_282 = tpu.memref_slice %arg4[%add3A_279, %dma_start3A_280, %dma_start3A_281] : memref<6400x128x128xf32, #tpu.memory_space<hbm>> -> memref<2x128x128xf32, #tpu.memory_space<hbm>>
      %dma_start3A_283 = arith.constant 0 : i32
      %dma_start3A_284 = arith.constant 0 : i32
      %dma_start3A_285 = tpu.memref_slice %arg4[%add3A_279, %dma_start3A_283, %dma_start3A_284] : memref<6400x128x128xf32, #tpu.memory_space<hbm>> -> memref<2x128x128xf32, #tpu.memory_space<hbm>>
      tpu.enqueue_dma source(%arg7 : memref<2x128x128xf32, #tpu.memory_space<vmem>>) target(%dma_start3A_285 : memref<2x128x128xf32, #tpu.memory_space<hbm>>) target_semaphore(%arg11 : memref<!tpu.dma_semaphore, #tpu.memory_space<semaphore_mem>>)
    }
    %scan3A_117 = arith.constant 49 : i32
    %add3A_118 = arith.constant 196 : i32
    %add3A_119 = arith.addi %mul3A_2, %add3A_118 : i32
    %dma_wait3A_120 = arith.constant 0 : i32
    %dma_wait3A_121 = arith.constant 0 : i32
    %dma_wait3A_122 = tpu.memref_slice %arg4[%add3A_119, %dma_wait3A_120, %dma_wait3A_121] : memref<6400x128x128xf32, #tpu.memory_space<hbm>> -> memref<2x128x128xf32, #tpu.memory_space<hbm>>
    %dma_wait3A_123 = arith.constant 0 : i32
    %dma_wait3A_124 = arith.constant 0 : i32
    %dma_wait3A_125 = tpu.memref_slice %arg4[%add3A_119, %dma_wait3A_123, %dma_wait3A_124] : memref<6400x128x128xf32, #tpu.memory_space<hbm>> -> memref<2x128x128xf32, #tpu.memory_space<hbm>>
    tpu.wait_dma2 semaphore(%arg10 : memref<!tpu.dma_semaphore, #tpu.memory_space<semaphore_mem>>) src(%arg6 : memref<2x128x128xf32, #tpu.memory_space<vmem>>) dst(%dma_wait3A_125 : memref<2x128x128xf32, #tpu.memory_space<hbm>>)
    %add3A_126 = arith.constant 198 : i32
    %add3A_127 = arith.addi %mul3A_2, %add3A_126 : i32
    %dma_wait3A_128 = arith.constant 0 : i32
    %dma_wait3A_129 = arith.constant 0 : i32
    %dma_wait3A_130 = tpu.memref_slice %arg4[%add3A_127, %dma_wait3A_128, %dma_wait3A_129] : memref<6400x128x128xf32, #tpu.memory_space<hbm>> -> memref<2x128x128xf32, #tpu.memory_space<hbm>>
    %dma_wait3A_131 = arith.constant 0 : i32
    %dma_wait3A_132 = arith.constant 0 : i32
    %dma_wait3A_133 = tpu.memref_slice %arg4[%add3A_127, %dma_wait3A_131, %dma_wait3A_132] : memref<6400x128x128xf32, #tpu.memory_space<hbm>> -> memref<2x128x128xf32, #tpu.memory_space<hbm>>
    tpu.wait_dma2 semaphore(%arg11 : memref<!tpu.dma_semaphore, #tpu.memory_space<semaphore_mem>>) src(%arg7 : memref<2x128x128xf32, #tpu.memory_space<vmem>>) dst(%dma_wait3A_133 : memref<2x128x128xf32, #tpu.memory_space<hbm>>)
    return
  }
}

module attributes {stable_mosaic.version = 14 : i64} {
  func.func @body(%arg0: i32, %arg1: memref<2000x128xf32, #tpu.memory_space<vmem>>, %arg2: memref<2000x128xf32, #tpu.memory_space<vmem>>) attributes {dimension_semantics = [#tpu.dimension_semantics<arbitrary>], iteration_bounds = array<i64: 50>, scalar_prefetch = 0 : i64, scratch_operands = 0 : i64, tpu.core_type = #tpu.core_type<tc>, window_params = [{transform_indices = @transform_0, window_bounds = array<i64: 2000, 128>}, {transform_indices = @transform_1, window_bounds = array<i64: 2000, 128>}]} {
    %get3A = arith.constant 0 : index
    %get3A_0 = arith.constant 0 : index
    %get3A_1 = vector.load %arg1[%get3A, %get3A_0] : memref<2000x128xf32, #tpu.memory_space<vmem>>, vector<2000x128xf32>
    %mul3A = arith.constant 11.3137083 : f32
    %mul3A_2 = vector.broadcast %mul3A : f32 to vector<2000x128xf32>
    %mul3A_3 = arith.mulf %get3A_1, %mul3A_2 : vector<2000x128xf32>
    %swap3A = arith.constant 0 : index
    %swap3A_4 = arith.constant 0 : index
    %swap3A_5 = vector.load %arg2[%swap3A, %swap3A_4] : memref<2000x128xf32, #tpu.memory_space<vmem>>, vector<2000x128xf32>
    tpu.vector_store %arg2[%swap3A, %swap3A_4], %mul3A_3 {strides = array<i32>} : memref<2000x128xf32, #tpu.memory_space<vmem>>, vector<2000x128xf32>,
    return
  }
  func.func @transform_0(%arg0: i32) -> (i32, i32) {
    %c0_i32 = arith.constant 0 : i32
    %c0_i32_0 = arith.constant 0 : i32
    return %arg0, %c0_i32 : i32, i32
  }
  func.func @transform_1(%arg0: i32) -> (i32, i32) {
    %c0_i32 = arith.constant 0 : i32
    %c0_i32_0 = arith.constant 0 : i32
    return %arg0, %c0_i32 : i32, i32
  }
}

</mosaic_0001>

<sc_bundles>
// kernel: kernel.4.cloned.1.call-start
scs
__scs_entry_jumppad:
0x0: {  	(pc) =	sbr.rel $0x88, $3  }
0x1: {  	(tag) =	ssettag $0x0;
	lr =	simm.s32 $0x1  }
0x2: {  	[smem:$0x3F9F] =	sst lr;
	_ =	strace $0xD0000000  }
0x3: {  	_ = 	snop  }
0x4: {  	_ = 	snop  }
0x5: {  	_ = 	snop  }
0x6: {  	_ = 	snop  }
0x7: {  	_ = 	snop  }
__scs_overlays_trampoline_lowered:
0x8: {  	[smem:$0x3FAE] =	sst s0  }
0x9: {  	[smem:$0x3FAF] =	sst s1  }
0xa: {  	[smem:$0x3FB0] =	sst s2  }
0xb: {  	[smem:$0x3FB1] =	sst s3  }
0xc: {  	[smem:$0x3FB2] =	sst s4  }
0xd: {  	[smem:$0x3FB3] =	sst s5  }
0xe: {  	[smem:$0x3FB4] =	sst s6  }
0xf: {  	[smem:$0x3FB5] =	sst s7  }
0x10: {  	[smem:$0x3FB6] =	sst s8  }
0x11: {  	[smem:$0x3FB7] =	sst s9;
	s0 =	simm.s32 @!p0 $0x0  }
0x12: {  	s1 =	sld [smem:$0x3F9D];
	s0 =	simm.s32 @p0 $0x1  }
0x13: {  	[smem:$0x3FB8] =	sst s0;
	s0 =	simm.s32 @!p1 $0x0  }
0x14: {  	s2 =	sld [smem:$0x3F9C];
	s0 =	simm.s32 @p1 $0x1  }
0x15: {  	[smem:$0x3FB9] =	sst s0;
	s0 =	simm.s32 @!p2 $0x0  }
0x16: {  	s3 =	sld [smem:$0x3FDB];
	s0 =	simm.s32 @p2 $0x1  }
0x17: {  	s4 =	simm.s32 $0x1BF5;
	[smem:$0x3FBB] =	sst s0  }
0x18: {  	s0 =	sld [smem:$0x3F9E];
	_ =	swait.ge [sflag:s4], $0x0  }
0x19: {  	s7 =	sld [smem:$0x3F9F]  }
0x1a: {  	s8 =	sadd.s32 $0xFFFFE003, lr  }
0x1b: {  	s9 =	sadd.s32 $0xFFFFFEF7, lr;
	s5 =	simm.s32 $0xFFFFFFFF;
	p2 =	slt.u32 s8, $0xFFFFF086  }
0x1c: {  	p1 =	slt.u32 s9, $0xF7A;
	s5 =	simm.s32 @!p2 $0x0  }
0x1d: {  	s5 =	simm.s32 @p1 $0x1;
	p0 =	seq.s32 s7, s2  }
0x1e: {  	s7 =	smul.u32 @!p0 $0xF7A, s2;
	p2 =	seq.s32 @!p0 s5, $0x0  }
0x1f: {  	s9 =	smul.u32 $0xF7A, s1;
	s8 =	simm.s32 @!p0 $0x1BF5;
	p2 =	por !p2, p0  }
0x20: {  	[sflag:s8] =	ssyncset.s32 @!p0 $0xFFFFF086;
	s6 =	sadd.s32 @!p0 s3, s7;
	s7 =	simm.s32 @!p0 $0x108  }
0x21: {  	s3 =	sadd.s32 s3, s9;
	s6 =	sadd.s32 @!p0 $0x88, s6;
	s7 =	simm.s32 @p2 $0x1082  }
0x22: {  	[simem:s7], [sflag:s8] =	dma.local @!p0 [hbm:s6], $0xF7A  }
0x23: {  	s9 =	sor.u32 $0xD0000000, s2;
	s6 =	simm.s32 $0x108;
	_ =	swait.ge @!p0 [sflag:s8], $0x0  }
0x24: {  	s3 =	sadd.s32 $0x88, s3;
	s6 =	simm.s32 @!p1 $0x1082;
	[sflag:s4] =	ssyncset.s32 $0xFFFFF086  }
0x25: {  	[simem:s6], [sflag:s4] =	dma.local [hbm:s3], $0xF7A  }
0x26: {  	[smem:$0x3F9F] =	sst s1;
	(tag) =	ssettag s2;
	_ =	strace s9  }
0x27: {  	s1 =	sld [smem:$0x3FAF]  }
0x28: {  	s2 =	sld [smem:$0x3FB0]  }
0x29: {  	s4 =	sld [smem:$0x3FB2]  }
0x2a: {  	p0 =	seq.s32 s5, $0x0;
	s5 =	sld [smem:$0x3FB3]  }
0x2b: {  	s6 =	sld [smem:$0x3FB4]  }
0x2c: {  	s7 =	sld [smem:$0x3FB5]  }
0x2d: {  	s3 =	simm.s32 $0x108;
	s8 =	sld [smem:$0x3FB6]  }
0x2e: {  	s3 =	simm.s32 @!p0 $0x1082;
	s9 =	sld [smem:$0x3FB7]  }
0x2f: {  	lr =	sadd.s32 s0, s3;
	s0 =	sld [smem:$0x3FAE]  }
0x30: {  	s3 =	sld [smem:$0x3FB1]  }
0x31: {  	[smem:$0x3FBA] =	sst s10  }
0x32: {  	s10 =	sld [smem:$0x3FB8];
	_ =	sdelay $0x3  }
0x33: {  	p0 =	seq.s32 s10, $0x1;
	s10 =	sld [smem:$0x3FBA];
	_ =	sdelay $0x3  }
0x34: {  	[smem:$0x3FBA] =	sst s10  }
0x35: {  	s10 =	sld [smem:$0x3FB9];
	_ =	sdelay $0x3  }
0x36: {  	p1 =	seq.s32 s10, $0x1;
	s10 =	sld [smem:$0x3FBA];
	_ =	sdelay $0x3  }
0x37: {  	[smem:$0x3FBA] =	sst s10  }
0x38: {  	s10 =	sld [smem:$0x3FBB]  }
0x39: {  	_ = 	snop;
	(pc) =	sbr.ind lr, $3  }
0x3a: {  	_ = 	snop  }
0x3b: {  	_ = 	snop  }
0x3c: {  	p2 =	seq.s32 s10, $0x1;
	s10 =	sld [smem:$0x3FBA]  }
0x3d: {  	_ =	shalt  }
0x3e: {  	_ =	shalt  }
0x3f: {  	_ =	shalt  }
0x40: {  	_ =	shalt  }
0x41: {  	_ =	shalt  }
0x42: {  	_ =	shalt  }
0x43: {  	_ =	shalt  }
0x44: {  	_ =	shalt  }
0x45: {  	_ =	shalt  }
0x46: {  	_ =	shalt  }
0x47: {  	_ =	shalt  }
0x48: {  	_ =	shalt  }
0x49: {  	_ =	shalt  }
0x4a: {  	_ =	shalt  }
0x4b: {  	_ =	shalt  }
0x4c: {  	_ =	shalt  }
0x4d: {  	_ =	shalt  }
0x4e: {  	_ =	shalt  }
0x4f: {  	_ =	shalt  }
0x50: {  	_ =	shalt  }
0x51: {  	_ =	shalt  }
0x52: {  	_ =	shalt  }
0x53: {  	_ =	shalt  }
0x54: {  	_ =	shalt  }
0x55: {  	_ =	shalt  }
0x56: {  	_ =	shalt  }
0x57: {  	_ =	shalt  }
0x58: {  	_ =	shalt  }
0x59: {  	_ =	shalt  }
0x5a: {  	_ =	shalt  }
0x5b: {  	_ =	shalt  }
0x5c: {  	_ =	shalt  }
0x5d: {  	_ =	shalt  }
0x5e: {  	_ =	shalt  }
0x5f: {  	_ =	shalt  }
0x60: {  	_ =	shalt  }
0x61: {  	_ =	shalt  }
0x62: {  	_ =	shalt  }
0x63: {  	_ =	shalt  }
0x64: {  	_ =	shalt  }
0x65: {  	_ =	shalt  }
0x66: {  	_ =	shalt  }
0x67: {  	_ =	shalt  }
0x68: {  	_ =	shalt  }
0x69: {  	_ =	shalt  }
0x6a: {  	_ =	shalt  }
0x6b: {  	_ =	shalt  }
0x6c: {  	_ =	shalt  }
0x6d: {  	_ =	shalt  }
0x6e: {  	_ =	shalt  }
0x6f: {  	_ =	shalt  }
0x70: {  	_ =	shalt  }
0x71: {  	_ =	shalt  }
0x72: {  	_ =	shalt  }
0x73: {  	_ =	shalt  }
0x74: {  	_ =	shalt  }
0x75: {  	_ =	shalt  }
0x76: {  	_ =	shalt  }
0x77: {  	_ =	shalt  }
0x78: {  	_ =	shalt  }
0x79: {  	_ =	shalt  }
0x7a: {  	_ =	shalt  }
0x7b: {  	_ =	shalt  }
0x7c: {  	_ =	shalt  }
0x7d: {  	_ =	shalt  }
0x7e: {  	_ =	shalt  }
0x7f: {  	_ =	shalt  }
0x80: {  	_ =	shalt  }
0x81: {  	_ =	shalt  }
0x82: {  	_ =	shalt  }
0x83: {  	_ =	shalt  }
0x84: {  	_ =	shalt  }
0x85: {  	_ =	shalt  }
0x86: {  	_ =	shalt  }
0x87: {  	_ =	shalt  }
.Lfunc_end0:
.L_simem_size_0:
called_computation_lowered:
.L_overlay_start_0:
0x88: {  	s2 =	sld [smem:$0x3FD9]  }
0x89: {  	s3 =	sld [smem:$0x3FFE];
	_ =	sdelay $0x1  }
0x8a: {  	s1 =	srdreg.scid  }
0x8b: {  	s0 =	sand.u32 $0x1, s1  }
0x8c: {  	s17 =	sshll.u32 s0, $0xA;
	s2 =	sadd.s32 s3, s2  }
0x8d: {  	s2 =	sadd.s32 s2, s17  }
0x8e: {  	[smem:$0x3FC6] =	sst s2  }
0x8f: {  	_ = 	snop  }
0x90: {  	s2 =	sld [smem:$0x3FD0];
	(tm) =	ssettm $0x1  }
0x91: {  	s18 =	sld [smem:$0x3FFB];
	_ =	sdelay $0x3  }
0x92: {  	_ =	strace s18  }
0x93: {  	s3 =	sld [smem:$0x3FFC];
	_ =	sdelay $0x3  }
0x94: {  	_ =	strace s3  }
0x95: {  	s3 =	sld [smem:$0x3FFD];
	_ =	sdelay $0x3  }
0x96: {  	_ =	strace s3  }
0x97: {  	_ =	strace $0x8FFFFFFF  }
0x98: {  	s19 =	sld [smem:$0x3FDB];
	_ =	sdelay $0x1  }
0x99: {  	s4 =	simm.s32 $_scs_section_size  }
0x9a: {  	s5 =	simm.s32 $_size__tile_overlayer_lowered;
	s6 =	simm.s32 $_tile_overlayer_lowered  }
0x9b: {  	s22 =	simm.s32 $0x1BFF;
	s21 =	sshll.u32 s6, $0x1;
	s3 =	sadd.s32 s4, s19  }
0x9c: {  	s7 =	simm.s32 $0x0;
	s20 =	sshll.u32 s5, $0x1;
	s5 =	sadd.s32 s21, s3  }
0x9d: {  	[timem:s7], [sflag:s22] =	dma.local [hbm:s5], s20  }
0x9e: {  	_ =	swait.ge [sflag:s22], s20  }
0x9f: {  	s4 =	ssub.s32 $0x0, s20;
	[sflag:s22] =	ssyncset.done $0x0  }
0xa0: {  	[sflag:s22] =	ssyncadd.s32 s4;
	_ =	sdelay $0x1  }
0xa1: {  	s23 =	simm.s32 $0x1B8B  }
0xa2: {  	_ =	swait.ge [sflag:s23], $0x1  }
0xa3: {  	[sflag:s23] =	ssyncset.done $0x0  }
0xa4: {  	s25 =	simm.s32 $0x1B8E;
	s24 =	sld [smem:$0x3FFE];
	[sflag:s23] =	ssyncadd.s32 $0xFFFFFFFF  }
0xa5: {  	s26 =	simm.s32 $execute0_lowered;
	[smem:$0x3FD2] =	sst s25  }
0xa6: {  	s5 =	sshll.u32 s26, $0x1;
	_ =	strace $0x80000046;
	[dreg:$0x1] =	wrdreg $0xFFFFFFFF  }
0xa7: {  	s28 =	simm.s32 $_size_execute0_lowered;
	s3 =	sadd.s32 s3, s5;
	[dreg:$0x0] =	wrdreg $0x0  }
0xa8: {  	s5 =	sshll.u32 s28, $0x1;
	[dreg:$0x2] =	wrdreg s3  }
0xa9: {  	[dreg:$0x3] =	wrdreg s5  }
0xaa: {  	[dreg:$0x4] =	wrdreg $0xC0  }
0xab: {  	_ =	task [dreg:s7], $0x5FFFF  }
0xac: {  	[dreg:$0x1] =	wrdreg $0xFFFFFFFF  }
0xad: {  	[dreg:$0x0] =	wrdreg $0x60  }
0xae: {  	[dreg:$0x2] =	wrdreg s24  }
0xaf: {  	[dreg:$0x3] =	wrdreg s2  }
0xb0: {  	[dreg:$0x4] =	wrdreg $0x9  }
0xb1: {  	_ =	task.clear_ibuf [dreg:s7], $0x5FFFF;
	_ =	strace $0x90000046  }
0xb2: {  	s29 =	simm.s32 $0x9;
	_ =	strace $0x80000048  }
0xb3: {  	_ =	swait.ge [sflag:s29], $0x1  }
0xb4: {  	[sflag:s29] =	ssyncadd.s32 $0xFFFFFFFF  }
0xb5: {  	_ =	strace $0x90000048  }
0xb6: {  	_ =	sfence  }
0xb7: {  	s30 =	sld [smem:$0x0];
	_ =	sdelay $0x2  }
0xb8: {  	s31 =	sshll.u32 s1, $0xD;
	s1 =	sshrl.u32 s1, $0x2  }
0xb9: {  	s3 =	sand.u32 $0x4000, s31;
	s1 =	sadd.s32 s1, s30  }
0xba: {  	s0 =	sor.u32 s3, s0;
	s1 =	sshll.u32 s1, $0x11  }
0xbb: {  	s0 =	sor.u32 s1, s0  }
0xbc: {  	s0 =	sadd.s32 $0x8F2B, s0  }
0xbd: {  	[sflag:s0] =	ssyncadd.remote.s32 $0x1  }
0xbe: {  	_ =	sfence.sel $0xFFFF  }
0xbf: {  	[dreg:$0x0] =	wrdreg $0xFFFFFFFF;
	(pc) =	sbr.abs _section_cstart, $3  }
0xc0: {  	[dreg:$0x1] =	wrdreg $0xFFFFFFFF  }
0xc1: {  	_ =	task.clear_ibuf [dreg:s7], $0x2FFFF;
	_ =	strace $0x9FFFFFFF  }
0xc2: {  	(tm) =	ssettm $0x7FFFFFFF  }
0xc3: {  	_ =	shalt  }
tec
execute0_lowered:
.L_overlay_start_1:
0x0: {  	(tag) =	ssettag $0x1  }
0x1: {  	s1 =	srdreg.scid;
	s4 =	rddreg [dreg:$0x0]  }
0x2: {  	s0 =	stileid.u32;
	s8 =	rddreg [dreg:$0x1];
	s2 =	simm.s32 $0x0  }
0x3: {  	s14 =	simm.s32 $0x1;
	s15 =	simm.s32 $0x100;
	s16 =	simm.s32 $0xE400  }
0x4: {  	s17 =	simm.s32 $0x180;
	s18 =	simm.s32 $0x12400;
	s7 =	smul.u32 $0x640000, s0  }
0x5: {  	s19 =	simm.s32 $0x2;
	s3 =	sand.u32 $0x1, s1;
	s11 =	smul.u32 $0x190, s0  }
0x6: {  	s20 =	simm.s32 $0x3;
	s28 =	sshll.u32 s0, $0x1;
	s9 =	smul.u32 $0x320000, s3  }
0x7: {  	s21 =	simm.s32 $0x4;
	s1 =	sor.u32 s3, s28;
	s13 =	smul.u32 $0xC8, s3  }
0x8: {  	s22 =	simm.s32 $0x0;
	[smem:$0x7FF] =	sst s2;
	s5 =	smul.u32 $0xC80, s1  }
0x9: {  	s10 =	ssub.s32 $0x2, s3;
	s3 =	sadd.s32 $0x19400, s4;
	s6 =	smul.u32 $0x64000, s1  }
0xa: {  	s1 =	rddreg [dreg:$0x2];
	_ =	strace $0x80000047;
	s12 =	sshrl.u32 s10, $0x1  }
0xb: {  	s10 =	ssub.s32 s10, s12;
	s7 =	sadd.s32 s9, s7;
	s29 =	sadd.s32 s13, s11  }
0xc: {  	s11 =	simm.s32 $0x80;
	s12 =	simm.s32 $0x6400;
	s13 =	simm.s32 $0xA400  }
0xd: {  	s5 =	sadd.s32 s5, s4;
	s30 =	sor.u32 $0x10000, s7;
	s9 =	sshll.u32 s29, $0xB  }
0xe: {  	s7 =	smax.u32 s10, $0x1;
	s10 =	simm.s32 $0x5;
	s4 =	sadd.s32 $0x400, s5  }
0xf: {  	s5 =	sadd.s32 s8, s6;
	s31 =	sshrl.u32 s30, $0x3;
	s9 =	sadd.s32 s9, s8  }
0x10: {  	s6 =	sadd.s32 $0x1000, s5;
	s8 =	sadd.s32 s31, s8;
	s9 =	sadd.s32 $0x3000, s9  }
.LBB2_1:
0x11: {  	[tilespmem:s2], [sflag:$0x5] =	stream.linear.gather [hbm4b:s4+s2], $0x6400, $0x38;
	[tilespmem:$0x16400] =	vst v63  }
0x12: {  	_ =	swait.ge [sflag:s10], $0x6400  }
0x13: {  	[sflag:s10] =	ssyncset.done $0x0  }
0x14: {  	[sflag:s10] =	ssyncadd.s32 $0xFFFF9C00  }
0x15: {  	[tilespmem:s12], [sflag:$0x1] =	stream.indirect.gather [hbm4b:s3+s11], $0x80, s2, s11, $0xb8;
	[tilespmem:$0x16400] =	vst v63  }
0x16: {  	_ = 	snop  }
0x17: {  	[tilespmem:s13], [sflag:$0x1] =	stream.indirect.gather [hbm4b:s3+s11], $0x80, s11, s11, $0xb8;
	[tilespmem:$0x16400] =	vst v63  }
0x18: {  	_ =	swait.ge [sflag:s14], $0x4000  }
0x19: {  	[sflag:s14] =	ssyncset.done $0x0  }
0x1a: {  	[sflag:s14] =	ssyncadd.s32 $0xFFFFC000  }
0x1b: {  	_ =	swait.ge [sflag:s14], $0x4000  }
0x1c: {  	[sflag:s14] =	ssyncset.done $0x0  }
0x1d: {  	[sflag:s14] =	ssyncadd.s32 $0xFFFFC000  }
0x1e: {  	[hbm4b:s5+s2] =	stream.linear.scatter [tilespmem:s12], [sflag:$0x3], $0x8000, $0x38;
	[tilespmem:$0x16400] =	vst v63  }
0x1f: {  	_ = 	snop  }
0x20: {  	[tilespmem:s16], [sflag:$0x2] =	stream.indirect.gather [hbm4b:s3+s11], $0x80, s15, s11, $0xb8;
	[tilespmem:$0x16400] =	vst v63  }
0x21: {  	_ = 	snop  }
0x22: {  	[tilespmem:s18], [sflag:$0x2] =	stream.indirect.gather [hbm4b:s3+s11], $0x80, s17, s11, $0xb8;
	[tilespmem:$0x16400] =	vst v63  }
0x23: {  	_ =	swait.ge [sflag:s19], $0x4000  }
0x24: {  	[sflag:s19] =	ssyncset.done $0x0  }
0x25: {  	[sflag:s19] =	ssyncadd.s32 $0xFFFFC000  }
0x26: {  	_ =	swait.ge [sflag:s19], $0x4000  }
0x27: {  	[sflag:s19] =	ssyncset.done $0x0  }
0x28: {  	[sflag:s19] =	ssyncadd.s32 $0xFFFFC000  }
0x29: {  	[hbm4b:s6+s2] =	stream.linear.scatter [tilespmem:s16], [sflag:$0x4], $0x8000, $0x38;
	[tilespmem:$0x16400] =	vst v63  }
0x2a: {  	_ =	swait.ge [sflag:s20], $0x8000  }
0x2b: {  	[sflag:s20] =	ssyncset.done $0x0  }
0x2c: {  	s23 =	simm.s32 $0x200;
	[sflag:s20] =	ssyncadd.s32 $0xFFFF8000  }
0x2d: {  	[tilespmem:s12], [sflag:$0x1] =	stream.indirect.gather [hbm4b:s3+s11], $0x80, s23, s11, $0xb8;
	[tilespmem:$0x16400] =	vst v63  }
0x2e: {  	s29 =	simm.s32 $0x280  }
0x2f: {  	[tilespmem:s13], [sflag:$0x1] =	stream.indirect.gather [hbm4b:s3+s11], $0x80, s29, s11, $0xb8;
	[tilespmem:$0x16400] =	vst v63  }
0x30: {  	_ =	swait.ge [sflag:s14], $0x4000  }
0x31: {  	[sflag:s14] =	ssyncset.done $0x0  }
0x32: {  	[sflag:s14] =	ssyncadd.s32 $0xFFFFC000  }
0x33: {  	_ =	swait.ge [sflag:s14], $0x4000  }
0x34: {  	[sflag:s14] =	ssyncset.done $0x0  }
0x35: {  	[sflag:s14] =	ssyncadd.s32 $0xFFFFC000  }
0x36: {  	[hbm4b:s8+s2] =	stream.linear.scatter [tilespmem:s12], [sflag:$0x3], $0x8000, $0x38;
	[tilespmem:$0x16400] =	vst v63  }
0x37: {  	_ =	swait.ge [sflag:s21], $0x8000  }
0x38: {  	[sflag:s21] =	ssyncset.done $0x0  }
0x39: {  	s30 =	simm.s32 $0x300;
	[sflag:s21] =	ssyncadd.s32 $0xFFFF8000  }
0x3a: {  	[tilespmem:s16], [sflag:$0x2] =	stream.indirect.gather [hbm4b:s3+s11], $0x80, s30, s11, $0xb8;
	[tilespmem:$0x16400] =	vst v63  }
0x3b: {  	s31 =	simm.s32 $0x380  }
0x3c: {  	[tilespmem:s18], [sflag:$0x2] =	stream.indirect.gather [hbm4b:s3+s11], $0x80, s31, s11, $0xb8;
	[tilespmem:$0x16400] =	vst v63  }
0x3d: {  	_ =	swait.ge [sflag:s19], $0x4000  }
0x3e: {  	[sflag:s19] =	ssyncset.done $0x0  }
0x3f: {  	[sflag:s19] =	ssyncadd.s32 $0xFFFFC000  }
0x40: {  	_ =	swait.ge [sflag:s19], $0x4000  }
0x41: {  	s24 =	sadd.s32 $0x2000, s8;
	s25 =	sadd.s32 $0x2000, s9;
	[sflag:s19] =	ssyncset.done $0x0  }
0x42: {  	s26 =	smov.u32 s9;
	s23 =	simm.s32 $0x800;
	[sflag:s19] =	ssyncadd.s32 $0xFFFFC000  }
.LBB2_2:
0x43: {  	[hbm4b:s26+s2] =	stream.linear.scatter [tilespmem:s16], [sflag:$0x4], $0x8000, $0x38;
	[tilespmem:$0x16400] =	vst v63  }
0x44: {  	s28 =	smov.u32 s23;
	s26 =	smov.u32 s25  }
0x45: {  	p0 =	sne.s32 s23, $0x18000;
	s23 =	sadd.s32 $0x800, s23;
	_ =	swait.ge [sflag:s20], $0x8000  }
0x46: {  	s28 =	sshra.s32 s28, $0x2;
	[sflag:s20] =	ssyncset.done $0x0  }
0x47: {  	s29 =	sadd.s32 $0x200, s28;
	[sflag:s20] =	ssyncadd.s32 $0xFFFF8000  }
0x48: {  	[tilespmem:s12], [sflag:$0x1] =	stream.indirect.gather [hbm4b:s3+s11], $0x80, s29, s11, $0xb8;
	[tilespmem:$0x16400] =	vst v63  }
0x49: {  	s29 =	sadd.s32 $0x280, s28  }
0x4a: {  	[tilespmem:s13], [sflag:$0x1] =	stream.indirect.gather [hbm4b:s3+s11], $0x80, s29, s11, $0xb8;
	[tilespmem:$0x16400] =	vst v63  }
0x4b: {  	_ =	swait.ge [sflag:s14], $0x4000  }
0x4c: {  	[sflag:s14] =	ssyncset.done $0x0  }
0x4d: {  	[sflag:s14] =	ssyncadd.s32 $0xFFFFC000  }
0x4e: {  	_ =	swait.ge [sflag:s14], $0x4000  }
0x4f: {  	[sflag:s14] =	ssyncset.done $0x0  }
0x50: {  	[sflag:s14] =	ssyncadd.s32 $0xFFFFC000  }
0x51: {  	[hbm4b:s24+s2] =	stream.linear.scatter [tilespmem:s12], [sflag:$0x3], $0x8000, $0x38;
	[tilespmem:$0x16400] =	vst v63  }
0x52: {  	_ =	swait.ge [sflag:s21], $0x8000  }
0x53: {  	[sflag:s21] =	ssyncset.done $0x0  }
0x54: {  	s29 =	sadd.s32 $0x300, s28;
	[sflag:s21] =	ssyncadd.s32 $0xFFFF8000  }
0x55: {  	[tilespmem:s16], [sflag:$0x2] =	stream.indirect.gather [hbm4b:s3+s11], $0x80, s29, s11, $0xb8;
	[tilespmem:$0x16400] =	vst v63  }
0x56: {  	s28 =	sadd.s32 $0x380, s28  }
0x57: {  	[tilespmem:s18], [sflag:$0x2] =	stream.indirect.gather [hbm4b:s3+s11], $0x80, s28, s11, $0xb8;
	[tilespmem:$0x16400] =	vst v63  }
0x58: {  	_ =	swait.ge [sflag:s19], $0x4000  }
.Ltmp0:
0x59: {  	[sflag:s19] =	ssyncset.done $0x0;
	(pc) =	sbr.rel @p0 .LBB2_2-.Ltmp0, $4  }
0x5a: {  	[sflag:s19] =	ssyncadd.s32 $0xFFFFC000  }
0x5b: {  	_ =	swait.ge [sflag:s19], $0x4000  }
0x5c: {  	[sflag:s19] =	ssyncset.done $0x0  }
0x5d: {  	s25 =	sadd.s32 $0x2000, s25;
	s24 =	sadd.s32 $0x2000, s24;
	[sflag:s19] =	ssyncadd.s32 $0xFFFFC000  }
0x5e: {  	[hbm4b:s26+s2] =	stream.linear.scatter [tilespmem:s16], [sflag:$0x4], $0x8000, $0x38;
	[tilespmem:$0x16400] =	vst v63  }
0x5f: {  	s22 =	sadd.s32 $0x1, s22  }
0x60: {  	_ =	swait.ge [sflag:s20], $0x8000;
	p0 =	sne.s32 s22, s7  }
.Ltmp1:
0x61: {  	[sflag:s20] =	ssyncset.done $0x0;
	(pc) =	sbr.rel @p0 .LBB2_1-.Ltmp1, $4  }
0x62: {  	[sflag:s20] =	ssyncadd.s32 $0xFFFF8000  }
0x63: {  	_ =	swait.ge [sflag:s21], $0x8000  }
0x64: {  	[sflag:s21] =	ssyncset.done $0x0  }
0x65: {  	[sflag:s21] =	ssyncadd.s32 $0xFFFF8000  }
0x66: {  	_ =	sfence.sel $0x180000  }
0x67: {  	[bflag:$0x0] =	sbarrier.arrive $0xFFFF  }
0x68: {  	p0 =	sne.s32 s0, $0x0;
	_ =	strace $0x90000047  }
0x69: {  	s0 =	sadd.s32 @!p0 $0x100000, s1;
	[bflag:$0x2] =	sbarrier.arrive $0xFFFF  }
0x6a: {  	[sflag:s0] =	ssyncadd.tile.s32 @!p0 $0x1;
	_ =	shalt  }
.Lfunc_end2:
_tile_overlayer_lowered:
.L_overlay_start_2:
0x6b: {  	(tag) =	ssettag $0x2  }
0x6c: {  	s0 =	rddreg [dreg:$0x0];
	s2 =	stileid.u32  }
0x6d: {  	s1 =	rddreg [dreg:$0x1];
	p0 =	sne.s32 s2, $0x0  }
0x6e: {  	s3 =	rddreg [dreg:$0x2];
	[bflag:$0x3] =	sbarrier.arrive $0xFFFF;
	s2 =	simm.s32 @!p0 $0x1C05  }
0x6f: {  	[timem:s3], [sflag:s2] =	dma.local @!p0 [hbm:s0], s1  }
0x70: {  	s0 =	simm.s32 @!p0 $0x5  }
0x71: {  	_ =	swait.ge @!p0 [sflag:s0], s1  }
0x72: {  	s1 =	ssub.s32 @!p0 $0x0, s1;
	[sflag:s0] =	ssyncset.done @!p0 $0x0  }
0x73: {  	[sflag:s0] =	ssyncadd.s32 @!p0 s1  }
0x74: {  	[bflag:$0x3] =	sbarrier.arrive $0xFFFF  }
0x75: {  	_ =	shalt  }

</sc_bundles>
